<compile_context>
chip_gen: v7x
topology: tpu7x:2x2x1
jax: 0.10.2.dev20260603
libtpu: 0.0.44.dev20260713+nightly
codegen_flags: <defaults>
</compile_context>

<pallas_src>
import functools

import jax
import jax.numpy as jnp
from jax import lax
from jax.experimental import pallas as pl
from jax.experimental.pallas import tpu as pltpu
from jax.experimental.pallas import tpu_sc as plsc

B = 128
L = 256
F_LAB = 512
D = 1024
P = 8
NEG = 32
TEXT_DIM = L * 128

NKB = 16
KBLK = TEXT_DIM // NKB


def _label_mlp_body(lab_ref, w1_ref, b1_ref, w2_ref, b2_ref, out_ref):
    h = jnp.dot(lab_ref[...].astype(jnp.bfloat16),
                w1_ref[...].astype(jnp.bfloat16),
                preferred_element_type=jnp.float32)
    h = jnp.maximum(h + b1_ref[...], 0.0)
    o = jnp.dot(h.astype(jnp.bfloat16), w2_ref[...].astype(jnp.bfloat16),
                preferred_element_type=jnp.float32)
    o = jnp.maximum(o + b2_ref[...], 0.0)
    n = jnp.sqrt(jnp.sum(o * o, axis=-1, keepdims=True))
    out_ref[...] = o / jnp.maximum(n, 1e-12)


def _text_mlp_body(x_ref, w1a_ref, w1b_ref, w1c_ref, w1d_ref,
                   b1_ref, w2_ref, b2_ref, out_ref, acc_ref):
    k = pl.program_id(0)

    @pl.when(k == 0)
    def _init():
        acc_ref[...] = jnp.zeros_like(acc_ref)

    xb = x_ref[...].astype(jnp.bfloat16)
    DQ = D // 4
    for j, wr in enumerate((w1a_ref, w1b_ref, w1c_ref, w1d_ref)):
        acc_ref[:, j * DQ:(j + 1) * DQ] += jnp.dot(
            xb, wr[...].astype(jnp.bfloat16),
            preferred_element_type=jnp.float32)

    @pl.when(k == NKB - 1)
    def _fin():
        h = jnp.maximum(acc_ref[...] + b1_ref[...], 0.0)
        o = jnp.dot(h, w2_ref[...], preferred_element_type=jnp.float32)
        o = jnp.maximum(o + b2_ref[...], 0.0)
        n = jnp.sqrt(jnp.sum(o * o, axis=-1, keepdims=True))
        out_ref[...] = o / jnp.maximum(n, 1e-12)


def _sc_gather(table, idx_pos, idx_neg):
    NC, NS = 2, 16
    NW = NC * NS
    rows_w = B // NW
    mesh = plsc.VectorSubcoreMesh(core_axis_name="c", subcore_axis_name="s")

    @functools.partial(
        pl.kernel, mesh=mesh,
        out_type=[jax.ShapeDtypeStruct((B * P, D), jnp.float32),
                  jax.ShapeDtypeStruct((B * NEG, D), jnp.float32)],
        scratch_types=[
            pltpu.VMEM((rows_w, P), jnp.int32),
            pltpu.VMEM((rows_w, NEG), jnp.int32),
            pltpu.VMEM((P, D), jnp.float32),
            pltpu.VMEM((NEG, D), jnp.float32),
            pltpu.SemaphoreType.DMA,
            pltpu.SemaphoreType.DMA,
        ],
    )
    def gather_k(table_hbm, ip_hbm, in_hbm, op_hbm, on_hbm,
                 ipv, inv, pbuf, nbuf, psem, nsem):
        wid = lax.axis_index("s") * NC + lax.axis_index("c")
        bbase = wid * rows_w
        pltpu.sync_copy(ip_hbm.at[pl.ds(bbase, rows_w)], ipv)
        pltpu.sync_copy(in_hbm.at[pl.ds(bbase, rows_w)], inv)
        for r in range(1):
            g = bbase + r
            pcp = pltpu.async_copy(table_hbm.at[ipv.at[r]], pbuf, psem)
            ncp = pltpu.async_copy(table_hbm.at[inv.at[r]], nbuf, nsem)
            pcp.wait()
            pltpu.sync_copy(pbuf, op_hbm.at[pl.ds(g * P, P)])
            ncp.wait()
            pltpu.sync_copy(nbuf, on_hbm.at[pl.ds(g * NEG, NEG)])

    return gather_k(table, idx_pos, idx_neg)


def kernel(text, gather_positive, gather_negative, label_repre,
           W1t, b1t, W2t, b2t, W1l, b1l, W2l, b2l):
    b1l2 = b1l.reshape(1, D)
    b2l2 = b2l.reshape(1, D)
    b1t2 = b1t.reshape(1, D)
    b2t2 = b2t.reshape(1, D)

    lab2d = pl.pallas_call(
        _label_mlp_body,
        out_shape=jax.ShapeDtypeStruct((L, D), jnp.float32),
    )(label_repre, W1l, b1l2, W2l, b2l2)

    rows_pos, rows_neg = _sc_gather(lab2d, gather_positive, gather_negative)
    label_positive = rows_pos.reshape(B, P, D)
    label_negative = rows_neg.reshape(B, NEG, D)

    DQ = D // 4
    wspecs = [pl.BlockSpec((KBLK, DQ), lambda k, j=j: (k, j))
              for j in range(4)]
    txt = pl.pallas_call(
        _text_mlp_body,
        grid=(NKB,),
        in_specs=[
            pl.BlockSpec((B, KBLK), lambda k: (0, k)),
            *wspecs,
            pl.BlockSpec((1, D), lambda k: (0, 0)),
            pl.BlockSpec((D, D), lambda k: (0, 0)),
            pl.BlockSpec((1, D), lambda k: (0, 0)),
        ],
        out_specs=pl.BlockSpec((B, D), lambda k: (0, 0)),
        out_shape=jax.ShapeDtypeStruct((B, D), jnp.float32),
        scratch_shapes=[pltpu.VMEM((B, D), jnp.float32)],
    )(text, W1t, W1t, W1t, W1t, b1t2, W2t, b2t2)

    return (txt, label_positive, label_negative)

# --- scband reference (transcript-rebuilt; emitter-appended) ---
"""Pipeline reference for scband-matching-net-44341242364033 (READ-ONLY COPY).

The authoritative reference and input builder live on the scoring server;
editing this copy changes nothing except your own understanding.
"""

import jax, jax.numpy as jnp
import numpy as np

B = 128
L = 256          # label_map size
F_LAB = 512      # config.embedding.label.dimension
NODE = 128       # config.model.linear_transformation.node_dimension
TEXT_DIM = L * NODE  # 32768
D = 1024         # config.matching_net.dimension
P = 8            # positive_sample_num
NEG = 32         # negative_ratio * positive_num


def setup_inputs(seed: int = 0) -> dict:
    key = jax.random.key(seed)
    ks = jax.random.split(key, 12)
    return {
        'text': jax.random.normal(ks[0], (B, TEXT_DIM), dtype=jnp.float32),
        'gather_positive': jax.random.randint(ks[1], (B, P), 0, L, dtype=jnp.int64 if jax.config.jax_enable_x64 else jnp.int32).astype(jnp.int32),
        'gather_negative': jax.random.randint(ks[2], (B, NEG), 0, L, dtype=jnp.int64 if jax.config.jax_enable_x64 else jnp.int32).astype(jnp.int32),
        'label_repre': jax.random.normal(ks[3], (L, F_LAB), dtype=jnp.float32),
        'W1t': jax.random.normal(ks[4], (TEXT_DIM, D), dtype=jnp.float32) * (1.0 / np.sqrt(TEXT_DIM)),
        'b1t': jnp.zeros((D,), dtype=jnp.float32),
        'W2t': jax.random.normal(ks[5], (D, D), dtype=jnp.float32) * (1.0 / np.sqrt(D)),
        'b2t': jnp.zeros((D,), dtype=jnp.float32),
        'W1l': jax.random.normal(ks[6], (F_LAB, D), dtype=jnp.float32) * (1.0 / np.sqrt(F_LAB)),
        'b1l': jnp.zeros((D,), dtype=jnp.float32),
        'W2l': jax.random.normal(ks[7], (D, D), dtype=jnp.float32) * (1.0 / np.sqrt(D)),
        'b2l': jnp.zeros((D,), dtype=jnp.float32),
    }


def _l2norm(x):
    # mirrors torch.nn.functional.normalize(x, dim=-1) with eps=1e-12
    n = jnp.linalg.norm(x, axis=-1, keepdims=True)
    return x / jnp.maximum(n, 1e-12)


def reference(text, gather_positive, gather_negative, label_repre,
              W1t, b1t, W2t, b2t, W1l, b1l, W2l, b2l):
    Bsz = text.shape[0]
    # graph_model is identity (nn.Identity surrogate); unsqueeze(0) then repeat over batch
    lab = jnp.broadcast_to(label_repre[None, :, :], (Bsz, L, F_LAB))
    # label_encoder: Linear -> ReLU -> Dropout(0.0 noop) -> Linear
    lab = jax.nn.relu(lab @ W1l + b1l) @ W2l + b2l
    # output_relu != 0
    lab = jax.nn.relu(lab)
    # l2_norm
    lab = _l2norm(lab)
    Dd = lab.shape[-1]
    gp = jnp.broadcast_to(gather_positive[:, :, None].astype(jnp.int32), (Bsz, P, Dd))
    gn = jnp.broadcast_to(gather_negative[:, :, None].astype(jnp.int32), (Bsz, NEG, Dd))
    label_positive = jnp.take_along_axis(lab, gp, axis=1)
    label_negative = jnp.take_along_axis(lab, gn, axis=1)
    # embedding_net1 on text: Linear -> ReLU -> Dropout(0.0 noop) -> Linear
    txt = jax.nn.relu(text @ W1t + b1t) @ W2t + b2t
    txt = jax.nn.relu(txt)
    txt = _l2norm(txt)
    return (txt, label_positive, label_negative)

if __name__ == "__main__":
    import jax
    _d = setup_inputs()
    print(jax.jit(kernel)(*tuple(_d.values())))

</pallas_src>

<mosaic_0001>
#map = affine_map<(d0, d1) -> (0, 0)>
module attributes {stable_mosaic.version = 14 : i64} {
  func.func @gather_k(%arg0: i32, %arg1: i32, %arg2: memref<256x1024xf32, #tpu.memory_space<hbm>>, %arg3: memref<128x8xi32, #tpu.memory_space<hbm>>, %arg4: memref<128x32xi32, #tpu.memory_space<hbm>>, %arg5: memref<1024x1024xf32, #tpu.memory_space<hbm>>, %arg6: memref<4096x1024xf32, #tpu.memory_space<hbm>>, %arg7: memref<4x8xi32, #tpu.memory_space<vmem>>, %arg8: memref<4x32xi32, #tpu.memory_space<vmem>>, %arg9: memref<8x1024xf32, #tpu.memory_space<vmem>>, %arg10: memref<32x1024xf32, #tpu.memory_space<vmem>>, %arg11: memref<!tpu.dma_semaphore, #tpu.memory_space<semaphore_mem>>, %arg12: memref<!tpu.dma_semaphore, #tpu.memory_space<semaphore_mem>>) attributes {dimension_semantics = [#tpu.dimension_semantics<core_parallel>, #tpu.dimension_semantics<subcore_parallel>], iteration_bounds = array<i64: 2, 16>, scalar_prefetch = 0 : i64, scratch_operands = 6 : i64, tpu.core_type = #tpu.core_type<sc_vector_subcore>, window_params = [{transform_indices = #map}, {transform_indices = #map}, {transform_indices = #map}, {transform_indices = #map}, {transform_indices = #map}]} {
    %mul3A = arith.constant 2 : i32
    %mul3A_0 = arith.muli %arg1, %mul3A : i32
    %add3A = arith.addi %mul3A_0, %arg0 : i32
    %mul3A_1 = arith.constant 4 : i32
    %mul3A_2 = arith.muli %add3A, %mul3A_1 : i32
    "tpu.region"() ({
      %run_scoped3A = tpu.sem_alloc : memref<!tpu.dma_semaphore, #tpu.memory_space<semaphore_mem>>
      %dma_start3A_35 = arith.constant 0 : i32
      %dma_start3A_36 = tpu.memref_slice %arg3[%mul3A_2, %dma_start3A_35] : memref<128x8xi32, #tpu.memory_space<hbm>> -> memref<4x8xi32, #tpu.memory_space<hbm>>
      %dma_start3A_37 = arith.constant 0 : i32
      %dma_start3A_38 = tpu.memref_slice %arg3[%mul3A_2, %dma_start3A_37] : memref<128x8xi32, #tpu.memory_space<hbm>> -> memref<4x8xi32, #tpu.memory_space<hbm>>
      tpu.enqueue_dma source(%dma_start3A_38 : memref<4x8xi32, #tpu.memory_space<hbm>>) target(%arg7 : memref<4x8xi32, #tpu.memory_space<vmem>>) target_semaphore(%run_scoped3A : memref<!tpu.dma_semaphore, #tpu.memory_space<semaphore_mem>>)
      %dma_wait3A_39 = arith.constant 0 : i32
      %dma_wait3A_40 = tpu.memref_slice %arg3[%mul3A_2, %dma_wait3A_39] : memref<128x8xi32, #tpu.memory_space<hbm>> -> memref<4x8xi32, #tpu.memory_space<hbm>>
      %dma_wait3A_41 = arith.constant 0 : i32
      %dma_wait3A_42 = tpu.memref_slice %arg3[%mul3A_2, %dma_wait3A_41] : memref<128x8xi32, #tpu.memory_space<hbm>> -> memref<4x8xi32, #tpu.memory_space<hbm>>
      tpu.wait_dma2 semaphore(%run_scoped3A : memref<!tpu.dma_semaphore, #tpu.memory_space<semaphore_mem>>) src(%dma_wait3A_42 : memref<4x8xi32, #tpu.memory_space<hbm>>) dst(%arg7 : memref<4x8xi32, #tpu.memory_space<vmem>>)
      tpu.yield
    }) : () -> ()
    "tpu.region"() ({
      %run_scoped3A = tpu.sem_alloc : memref<!tpu.dma_semaphore, #tpu.memory_space<semaphore_mem>>
      %dma_start3A_35 = arith.constant 0 : i32
      %dma_start3A_36 = tpu.memref_slice %arg4[%mul3A_2, %dma_start3A_35] : memref<128x32xi32, #tpu.memory_space<hbm>> -> memref<4x32xi32, #tpu.memory_space<hbm>>
      %dma_start3A_37 = arith.constant 0 : i32
      %dma_start3A_38 = tpu.memref_slice %arg4[%mul3A_2, %dma_start3A_37] : memref<128x32xi32, #tpu.memory_space<hbm>> -> memref<4x32xi32, #tpu.memory_space<hbm>>
      tpu.enqueue_dma source(%dma_start3A_38 : memref<4x32xi32, #tpu.memory_space<hbm>>) target(%arg8 : memref<4x32xi32, #tpu.memory_space<vmem>>) target_semaphore(%run_scoped3A : memref<!tpu.dma_semaphore, #tpu.memory_space<semaphore_mem>>)
      %dma_wait3A_39 = arith.constant 0 : i32
      %dma_wait3A_40 = tpu.memref_slice %arg4[%mul3A_2, %dma_wait3A_39] : memref<128x32xi32, #tpu.memory_space<hbm>> -> memref<4x32xi32, #tpu.memory_space<hbm>>
      %dma_wait3A_41 = arith.constant 0 : i32
      %dma_wait3A_42 = tpu.memref_slice %arg4[%mul3A_2, %dma_wait3A_41] : memref<128x32xi32, #tpu.memory_space<hbm>> -> memref<4x32xi32, #tpu.memory_space<hbm>>
      tpu.wait_dma2 semaphore(%run_scoped3A : memref<!tpu.dma_semaphore, #tpu.memory_space<semaphore_mem>>) src(%dma_wait3A_42 : memref<4x32xi32, #tpu.memory_space<hbm>>) dst(%arg8 : memref<4x32xi32, #tpu.memory_space<vmem>>)
      tpu.yield
    }) : () -> ()
    %add3A_3 = arith.constant 0 : i32
    %add3A_4 = arith.addi %mul3A_2, %add3A_3 : i32
    %dma_start3A = arith.constant 0 : i32
    %dma_start3A_5 = arith.constant 0 : i32
    %dma_start3A_6 = tpu.memref_slice %arg7[%dma_start3A, %dma_start3A_5] : memref<4x8xi32, #tpu.memory_space<vmem>> -> memref<1x8xi32, #tpu.memory_space<vmem>>
    %dma_start3A_7 = tpu.memref_squeeze %dma_start3A_6 : memref<1x8xi32, #tpu.memory_space<vmem>> -> memref<8xi32, #tpu.memory_space<vmem>>
    %dma_start3A_8 = arith.constant 0 : i32
    %dma_start3A_9 = arith.constant 0 : i32
    %dma_start3A_10 = tpu.memref_slice %arg2[%dma_start3A_8, %dma_start3A_9] : memref<256x1024xf32, #tpu.memory_space<hbm>> -> memref<256x1024xf32, #tpu.memory_space<hbm>>
    tpu.enqueue_indirect_dma source(%dma_start3A_10 : memref<256x1024xf32, #tpu.memory_space<hbm>>) target(%arg9 : memref<8x1024xf32, #tpu.memory_space<vmem>>) offsets(%dma_start3A_7 : memref<8xi32, #tpu.memory_space<vmem>>) semaphore(%arg11 : memref<!tpu.dma_semaphore, #tpu.memory_space<semaphore_mem>>)
    %dma_start3A_11 = arith.constant 0 : i32
    %dma_start3A_12 = arith.constant 0 : i32
    %dma_start3A_13 = tpu.memref_slice %arg8[%dma_start3A_11, %dma_start3A_12] : memref<4x32xi32, #tpu.memory_space<vmem>> -> memref<1x32xi32, #tpu.memory_space<vmem>>
    %dma_start3A_14 = tpu.memref_squeeze %dma_start3A_13 : memref<1x32xi32, #tpu.memory_space<vmem>> -> memref<32xi32, #tpu.memory_space<vmem>>
    %dma_start3A_15 = arith.constant 0 : i32
    %dma_start3A_16 = arith.constant 0 : i32
    %dma_start3A_17 = tpu.memref_slice %arg2[%dma_start3A_15, %dma_start3A_16] : memref<256x1024xf32, #tpu.memory_space<hbm>> -> memref<256x1024xf32, #tpu.memory_space<hbm>>
    tpu.enqueue_indirect_dma source(%dma_start3A_17 : memref<256x1024xf32, #tpu.memory_space<hbm>>) target(%arg10 : memref<32x1024xf32, #tpu.memory_space<vmem>>) offsets(%dma_start3A_14 : memref<32xi32, #tpu.memory_space<vmem>>) semaphore(%arg12 : memref<!tpu.dma_semaphore, #tpu.memory_space<semaphore_mem>>)
    %dma_wait3A = arith.constant 0 : i32
    %dma_wait3A_18 = arith.constant 0 : i32
    %dma_wait3A_19 = tpu.memref_slice %arg7[%dma_wait3A, %dma_wait3A_18] : memref<4x8xi32, #tpu.memory_space<vmem>> -> memref<1x8xi32, #tpu.memory_space<vmem>>
    %dma_wait3A_20 = tpu.memref_squeeze %dma_wait3A_19 : memref<1x8xi32, #tpu.memory_space<vmem>> -> memref<8xi32, #tpu.memory_space<vmem>>
    %dma_wait3A_21 = arith.constant 0 : i32
    %dma_wait3A_22 = arith.constant 0 : i32
    %dma_wait3A_23 = tpu.memref_slice %arg2[%dma_wait3A_21, %dma_wait3A_22] : memref<256x1024xf32, #tpu.memory_space<hbm>> -> memref<256x1024xf32, #tpu.memory_space<hbm>>
    tpu.wait_indirect_dma semaphore(%arg11 : memref<!tpu.dma_semaphore, #tpu.memory_space<semaphore_mem>>) src(%dma_wait3A_23 : memref<256x1024xf32, #tpu.memory_space<hbm>>) dst(%arg9 : memref<8x1024xf32, #tpu.memory_space<vmem>>)
    %mul3A_24 = arith.constant 8 : i32
    %mul3A_25 = arith.muli %add3A_4, %mul3A_24 : i32
    "tpu.region"() ({
      %run_scoped3A = tpu.sem_alloc : memref<!tpu.dma_semaphore, #tpu.memory_space<semaphore_mem>>
      %dma_start3A_35 = arith.constant 0 : i32
      %dma_start3A_36 = tpu.memref_slice %arg5[%mul3A_25, %dma_start3A_35] : memref<1024x1024xf32, #tpu.memory_space<hbm>> -> memref<8x1024xf32, #tpu.memory_space<hbm>>
      %dma_start3A_37 = arith.constant 0 : i32
      %dma_start3A_38 = tpu.memref_slice %arg5[%mul3A_25, %dma_start3A_37] : memref<1024x1024xf32, #tpu.memory_space<hbm>> -> memref<8x1024xf32, #tpu.memory_space<hbm>>
      tpu.enqueue_dma source(%arg9 : memref<8x1024xf32, #tpu.memory_space<vmem>>) target(%dma_start3A_38 : memref<8x1024xf32, #tpu.memory_space<hbm>>) target_semaphore(%run_scoped3A : memref<!tpu.dma_semaphore, #tpu.memory_space<semaphore_mem>>)
      %dma_wait3A_39 = arith.constant 0 : i32
      %dma_wait3A_40 = tpu.memref_slice %arg5[%mul3A_25, %dma_wait3A_39] : memref<1024x1024xf32, #tpu.memory_space<hbm>> -> memref<8x1024xf32, #tpu.memory_space<hbm>>
      %dma_wait3A_41 = arith.constant 0 : i32
      %dma_wait3A_42 = tpu.memref_slice %arg5[%mul3A_25, %dma_wait3A_41] : memref<1024x1024xf32, #tpu.memory_space<hbm>> -> memref<8x1024xf32, #tpu.memory_space<hbm>>
      tpu.wait_dma2 semaphore(%run_scoped3A : memref<!tpu.dma_semaphore, #tpu.memory_space<semaphore_mem>>) src(%arg9 : memref<8x1024xf32, #tpu.memory_space<vmem>>) dst(%dma_wait3A_42 : memref<8x1024xf32, #tpu.memory_space<hbm>>)
      tpu.yield
    }) : () -> ()
    %dma_wait3A_26 = arith.constant 0 : i32
    %dma_wait3A_27 = arith.constant 0 : i32
    %dma_wait3A_28 = tpu.memref_slice %arg8[%dma_wait3A_26, %dma_wait3A_27] : memref<4x32xi32, #tpu.memory_space<vmem>> -> memref<1x32xi32, #tpu.memory_space<vmem>>
    %dma_wait3A_29 = tpu.memref_squeeze %dma_wait3A_28 : memref<1x32xi32, #tpu.memory_space<vmem>> -> memref<32xi32, #tpu.memory_space<vmem>>
    %dma_wait3A_30 = arith.constant 0 : i32
    %dma_wait3A_31 = arith.constant 0 : i32
    %dma_wait3A_32 = tpu.memref_slice %arg2[%dma_wait3A_30, %dma_wait3A_31] : memref<256x1024xf32, #tpu.memory_space<hbm>> -> memref<256x1024xf32, #tpu.memory_space<hbm>>
    tpu.wait_indirect_dma semaphore(%arg12 : memref<!tpu.dma_semaphore, #tpu.memory_space<semaphore_mem>>) src(%dma_wait3A_32 : memref<256x1024xf32, #tpu.memory_space<hbm>>) dst(%arg10 : memref<32x1024xf32, #tpu.memory_space<vmem>>)
    %mul3A_33 = arith.constant 32 : i32
    %mul3A_34 = arith.muli %add3A_4, %mul3A_33 : i32
    "tpu.region"() ({
      %run_scoped3A = tpu.sem_alloc : memref<!tpu.dma_semaphore, #tpu.memory_space<semaphore_mem>>
      %dma_start3A_35 = arith.constant 0 : i32
      %dma_start3A_36 = tpu.memref_slice %arg6[%mul3A_34, %dma_start3A_35] : memref<4096x1024xf32, #tpu.memory_space<hbm>> -> memref<32x1024xf32, #tpu.memory_space<hbm>>
      %dma_start3A_37 = arith.constant 0 : i32
      %dma_start3A_38 = tpu.memref_slice %arg6[%mul3A_34, %dma_start3A_37] : memref<4096x1024xf32, #tpu.memory_space<hbm>> -> memref<32x1024xf32, #tpu.memory_space<hbm>>
      tpu.enqueue_dma source(%arg10 : memref<32x1024xf32, #tpu.memory_space<vmem>>) target(%dma_start3A_38 : memref<32x1024xf32, #tpu.memory_space<hbm>>) target_semaphore(%run_scoped3A : memref<!tpu.dma_semaphore, #tpu.memory_space<semaphore_mem>>)
      %dma_wait3A_39 = arith.constant 0 : i32
      %dma_wait3A_40 = tpu.memref_slice %arg6[%mul3A_34, %dma_wait3A_39] : memref<4096x1024xf32, #tpu.memory_space<hbm>> -> memref<32x1024xf32, #tpu.memory_space<hbm>>
      %dma_wait3A_41 = arith.constant 0 : i32
      %dma_wait3A_42 = tpu.memref_slice %arg6[%mul3A_34, %dma_wait3A_41] : memref<4096x1024xf32, #tpu.memory_space<hbm>> -> memref<32x1024xf32, #tpu.memory_space<hbm>>
      tpu.wait_dma2 semaphore(%run_scoped3A : memref<!tpu.dma_semaphore, #tpu.memory_space<semaphore_mem>>) src(%arg10 : memref<32x1024xf32, #tpu.memory_space<vmem>>) dst(%dma_wait3A_42 : memref<32x1024xf32, #tpu.memory_space<hbm>>)
      tpu.yield
    }) : () -> ()
    return
  }
}

module attributes {stable_mosaic.version = 14 : i64} {
  func.func @_text_mlp_body(%arg0: i32, %arg1: memref<128x2048xf32, #tpu.memory_space<vmem>>, %arg2: memref<2048x256xf32, #tpu.memory_space<vmem>>, %arg3: memref<2048x256xf32, #tpu.memory_space<vmem>>, %arg4: memref<2048x256xf32, #tpu.memory_space<vmem>>, %arg5: memref<2048x256xf32, #tpu.memory_space<vmem>>, %arg6: memref<1x1024xf32, #tpu.memory_space<vmem>>, %arg7: memref<1024x1024xf32, #tpu.memory_space<vmem>>, %arg8: memref<1x1024xf32, #tpu.memory_space<vmem>>, %arg9: memref<128x1024xf32, #tpu.memory_space<vmem>>, %arg10: memref<128x1024xf32, #tpu.memory_space<vmem>>) attributes {dimension_semantics = [#tpu.dimension_semantics<arbitrary>], iteration_bounds = array<i64: 16>, scalar_prefetch = 0 : i64, scratch_operands = 1 : i64, tpu.core_type = #tpu.core_type<tc>, window_params = [{transform_indices = @transform_0, window_bounds = array<i64: 128, 2048>}, {transform_indices = @transform_1, window_bounds = array<i64: 2048, 256>}, {transform_indices = @transform_2, window_bounds = array<i64: 2048, 256>}, {transform_indices = @transform_3, window_bounds = array<i64: 2048, 256>}, {transform_indices = @transform_4, window_bounds = array<i64: 2048, 256>}, {pipeline_mode = #tpu.pipeline_mode<synchronous>, transform_indices = @transform_5, window_bounds = array<i64: 1, 1024>}, {pipeline_mode = #tpu.pipeline_mode<synchronous>, transform_indices = @transform_6, window_bounds = array<i64: 1024, 1024>}, {pipeline_mode = #tpu.pipeline_mode<synchronous>, transform_indices = @transform_7, window_bounds = array<i64: 1, 1024>}, {pipeline_mode = #tpu.pipeline_mode<synchronous>, transform_indices = @transform_8, window_bounds = array<i64: 128, 1024>}]} {
    %eq3A = arith.constant 0 : i32
    %eq3A_0 = arith.cmpi eq, %arg0, %eq3A : i32
    %convert_element_type3A = arith.extui %eq3A_0 : i1 to i32
    %cond3A = arith.constant 0 : i32
    %cond3A_1 = arith.cmpi ne, %convert_element_type3A, %cond3A : i32
    scf.if %cond3A_1 {
      %broadcast_in_dim3A = arith.constant 0.000000e+00 : f32
      %broadcast_in_dim3A_59 = vector.broadcast %broadcast_in_dim3A : f32 to vector<128x1024xf32>
      %swap3A_60 = arith.constant 0 : index
      %swap3A_61 = arith.constant 0 : index
      %swap3A_62 = vector.load %arg10[%swap3A_60, %swap3A_61] : memref<128x1024xf32, #tpu.memory_space<vmem>>, vector<128x1024xf32>
      tpu.vector_store %arg10[%swap3A_60, %swap3A_61], %broadcast_in_dim3A_59 {strides = array<i32>} : memref<128x1024xf32, #tpu.memory_space<vmem>>, vector<128x1024xf32>,
    } else {
    }
    %get3A = arith.constant 0 : index
    %get3A_2 = arith.constant 0 : index
    %get3A_3 = vector.load %arg1[%get3A, %get3A_2] : memref<128x2048xf32, #tpu.memory_space<vmem>>, vector<128x2048xf32>
    %convert_element_type3A_4 = arith.truncf %get3A_3 : vector<128x2048xf32> to vector<128x2048xbf16>
    %get3A_5 = arith.constant 0 : index
    %get3A_6 = arith.constant 0 : index
    %get3A_7 = vector.load %arg10[%get3A_5, %get3A_6] : memref<128x1024xf32, #tpu.memory_space<vmem>>, vector<128x256xf32>
    %get3A_8 = arith.constant 0 : index
    %get3A_9 = arith.constant 0 : index
    %get3A_10 = vector.load %arg2[%get3A_8, %get3A_9] : memref<2048x256xf32, #tpu.memory_space<vmem>>, vector<2048x256xf32>
    %convert_element_type3A_11 = arith.truncf %get3A_10 : vector<2048x256xf32> to vector<2048x256xbf16>
    %dot_general3A = arith.constant dense<0.000000e+00> : vector<128x256xf32>
    %dot_general3A_12 = tpu.matmul %convert_element_type3A_4, %convert_element_type3A_11, %dot_general3A {dimension_numbers = #tpu.dot_dimension_numbers<[1], [0], [0], [1], [0, 0, 1, 1], [], []>, transpose_lhs_hint = false} : vector<128x2048xbf16>, vector<2048x256xbf16>, vector<128x256xf32> -> vector<128x256xf32>
    %add3A = arith.addf %get3A_7, %dot_general3A_12 : vector<128x256xf32>
    %swap3A = arith.constant 0 : index
    %swap3A_13 = arith.constant 0 : index
    %swap3A_14 = vector.load %arg10[%swap3A, %swap3A_13] : memref<128x1024xf32, #tpu.memory_space<vmem>>, vector<128x256xf32>
    tpu.vector_store %arg10[%swap3A, %swap3A_13], %add3A {strides = array<i32>} : memref<128x1024xf32, #tpu.memory_space<vmem>>, vector<128x256xf32>,
    %get3A_15 = arith.constant 0 : index
    %get3A_16 = arith.constant 256 : index
    %get3A_17 = vector.load %arg10[%get3A_15, %get3A_16] : memref<128x1024xf32, #tpu.memory_space<vmem>>, vector<128x256xf32>
    %get3A_18 = arith.constant 0 : index
    %get3A_19 = arith.constant 0 : index
    %get3A_20 = vector.load %arg3[%get3A_18, %get3A_19] : memref<2048x256xf32, #tpu.memory_space<vmem>>, vector<2048x256xf32>
    %convert_element_type3A_21 = arith.truncf %get3A_20 : vector<2048x256xf32> to vector<2048x256xbf16>
    %dot_general3A_22 = arith.constant dense<0.000000e+00> : vector<128x256xf32>
    %dot_general3A_23 = tpu.matmul %convert_element_type3A_4, %convert_element_type3A_21, %dot_general3A_22 {dimension_numbers = #tpu.dot_dimension_numbers<[1], [0], [0], [1], [0, 0, 1, 1], [], []>, transpose_lhs_hint = false} : vector<128x2048xbf16>, vector<2048x256xbf16>, vector<128x256xf32> -> vector<128x256xf32>
    %add3A_24 = arith.addf %get3A_17, %dot_general3A_23 : vector<128x256xf32>
    %swap3A_25 = arith.constant 0 : index
    %swap3A_26 = arith.constant 256 : index
    %swap3A_27 = vector.load %arg10[%swap3A_25, %swap3A_26] : memref<128x1024xf32, #tpu.memory_space<vmem>>, vector<128x256xf32>
    tpu.vector_store %arg10[%swap3A_25, %swap3A_26], %add3A_24 {strides = array<i32>} : memref<128x1024xf32, #tpu.memory_space<vmem>>, vector<128x256xf32>,
    %get3A_28 = arith.constant 0 : index
    %get3A_29 = arith.constant 512 : index
    %get3A_30 = vector.load %arg10[%get3A_28, %get3A_29] : memref<128x1024xf32, #tpu.memory_space<vmem>>, vector<128x256xf32>
    %get3A_31 = arith.constant 0 : index
    %get3A_32 = arith.constant 0 : index
    %get3A_33 = vector.load %arg4[%get3A_31, %get3A_32] : memref<2048x256xf32, #tpu.memory_space<vmem>>, vector<2048x256xf32>
    %convert_element_type3A_34 = arith.truncf %get3A_33 : vector<2048x256xf32> to vector<2048x256xbf16>
    %dot_general3A_35 = arith.constant dense<0.000000e+00> : vector<128x256xf32>
    %dot_general3A_36 = tpu.matmul %convert_element_type3A_4, %convert_element_type3A_34, %dot_general3A_35 {dimension_numbers = #tpu.dot_dimension_numbers<[1], [0], [0], [1], [0, 0, 1, 1], [], []>, transpose_lhs_hint = false} : vector<128x2048xbf16>, vector<2048x256xbf16>, vector<128x256xf32> -> vector<128x256xf32>
    %add3A_37 = arith.addf %get3A_30, %dot_general3A_36 : vector<128x256xf32>
    %swap3A_38 = arith.constant 0 : index
    %swap3A_39 = arith.constant 512 : index
    %swap3A_40 = vector.load %arg10[%swap3A_38, %swap3A_39] : memref<128x1024xf32, #tpu.memory_space<vmem>>, vector<128x256xf32>
    tpu.vector_store %arg10[%swap3A_38, %swap3A_39], %add3A_37 {strides = array<i32>} : memref<128x1024xf32, #tpu.memory_space<vmem>>, vector<128x256xf32>,
    %get3A_41 = arith.constant 0 : index
    %get3A_42 = arith.constant 768 : index
    %get3A_43 = vector.load %arg10[%get3A_41, %get3A_42] : memref<128x1024xf32, #tpu.memory_space<vmem>>, vector<128x256xf32>
    %get3A_44 = arith.constant 0 : index
    %get3A_45 = arith.constant 0 : index
    %get3A_46 = vector.load %arg5[%get3A_44, %get3A_45] : memref<2048x256xf32, #tpu.memory_space<vmem>>, vector<2048x256xf32>
    %convert_element_type3A_47 = arith.truncf %get3A_46 : vector<2048x256xf32> to vector<2048x256xbf16>
    %dot_general3A_48 = arith.constant dense<0.000000e+00> : vector<128x256xf32>
    %dot_general3A_49 = tpu.matmul %convert_element_type3A_4, %convert_element_type3A_47, %dot_general3A_48 {dimension_numbers = #tpu.dot_dimension_numbers<[1], [0], [0], [1], [0, 0, 1, 1], [], []>, transpose_lhs_hint = false} : vector<128x2048xbf16>, vector<2048x256xbf16>, vector<128x256xf32> -> vector<128x256xf32>
    %add3A_50 = arith.addf %get3A_43, %dot_general3A_49 : vector<128x256xf32>
    %swap3A_51 = arith.constant 0 : index
    %swap3A_52 = arith.constant 768 : index
    %swap3A_53 = vector.load %arg10[%swap3A_51, %swap3A_52] : memref<128x1024xf32, #tpu.memory_space<vmem>>, vector<128x256xf32>
    tpu.vector_store %arg10[%swap3A_51, %swap3A_52], %add3A_50 {strides = array<i32>} : memref<128x1024xf32, #tpu.memory_space<vmem>>, vector<128x256xf32>,
    %eq3A_54 = arith.constant 15 : i32
    %eq3A_55 = arith.cmpi eq, %arg0, %eq3A_54 : i32
    %convert_element_type3A_56 = arith.extui %eq3A_55 : i1 to i32
    %cond3A_57 = arith.constant 0 : i32
    %cond3A_58 = arith.cmpi ne, %convert_element_type3A_56, %cond3A_57 : i32
    scf.if %cond3A_58 {
      %get3A_59 = arith.constant 0 : index
      %get3A_60 = arith.constant 0 : index
      %get3A_61 = vector.load %arg10[%get3A_59, %get3A_60] : memref<128x1024xf32, #tpu.memory_space<vmem>>, vector<128x1024xf32>
      %get3A_62 = arith.constant 0 : index
      %get3A_63 = arith.constant 0 : index
      %get3A_64 = vector.load %arg6[%get3A_62, %get3A_63] : memref<1x1024xf32, #tpu.memory_space<vmem>>, vector<1x1024xf32>
      %add3A_65 = vector.broadcast %get3A_64 : vector<1x1024xf32> to vector<128x1024xf32>
      %add3A_66 = arith.addf %get3A_61, %add3A_65 : vector<128x1024xf32>
      %max3A = arith.constant 0.000000e+00 : f32
      %max3A_67 = vector.broadcast %max3A : f32 to vector<128x1024xf32>
      %max3A_68 = arith.maximumf %add3A_66, %max3A_67 : vector<128x1024xf32>
      %get3A_69 = arith.constant 0 : index
      %get3A_70 = arith.constant 0 : index
      %get3A_71 = vector.load %arg7[%get3A_69, %get3A_70] : memref<1024x1024xf32, #tpu.memory_space<vmem>>, vector<1024x1024xf32>
      %dot_general3A_72 = arith.constant dense<0.000000e+00> : vector<128x1024xf32>
      %dot_general3A_73 = tpu.matmul %max3A_68, %get3A_71, %dot_general3A_72 {dimension_numbers = #tpu.dot_dimension_numbers<[1], [0], [0], [1], [0, 0, 1, 1], [], []>, transpose_lhs_hint = false} : vector<128x1024xf32>, vector<1024x1024xf32>, vector<128x1024xf32> -> vector<128x1024xf32>
      %get3A_74 = arith.constant 0 : index
      %get3A_75 = arith.constant 0 : index
      %get3A_76 = vector.load %arg8[%get3A_74, %get3A_75] : memref<1x1024xf32, #tpu.memory_space<vmem>>, vector<1x1024xf32>
      %add3A_77 = vector.broadcast %get3A_76 : vector<1x1024xf32> to vector<128x1024xf32>
      %add3A_78 = arith.addf %dot_general3A_73, %add3A_77 : vector<128x1024xf32>
      %max3A_79 = arith.constant 0.000000e+00 : f32
      %max3A_80 = vector.broadcast %max3A_79 : f32 to vector<128x1024xf32>
      %max3A_81 = arith.maximumf %add3A_78, %max3A_80 : vector<128x1024xf32>
      %mul3A = arith.mulf %max3A_81, %max3A_81 : vector<128x1024xf32>
      %reduce_sum3A = arith.constant dense<0.000000e+00> : vector<128xf32>
      %reduce_sum3A_82 = vector.multi_reduction <add>, %mul3A, %reduce_sum3A [1] : vector<128x1024xf32> to vector<128xf32>
      %broadcast_in_dim3A = vector.shape_cast %reduce_sum3A_82 : vector<128xf32> to vector<128x1xf32>
      %sqrt3A = math.sqrt %broadcast_in_dim3A : vector<128x1xf32>
      %max3A_83 = arith.constant 9.99999996E-13 : f32
      %max3A_84 = vector.broadcast %max3A_83 : f32 to vector<128x1xf32>
      %max3A_85 = arith.maximumf %sqrt3A, %max3A_84 : vector<128x1xf32>
      %div3A = vector.broadcast %max3A_85 : vector<128x1xf32> to vector<128x1024xf32>
      %div3A_86 = arith.divf %max3A_81, %div3A : vector<128x1024xf32>
      %swap3A_87 = arith.constant 0 : index
      %swap3A_88 = arith.constant 0 : index
      %swap3A_89 = vector.load %arg9[%swap3A_87, %swap3A_88] : memref<128x1024xf32, #tpu.memory_space<vmem>>, vector<128x1024xf32>
      tpu.vector_store %arg9[%swap3A_87, %swap3A_88], %div3A_86 {strides = array<i32>} : memref<128x1024xf32, #tpu.memory_space<vmem>>, vector<128x1024xf32>,
    } else {
    }
    return
  }
  func.func @transform_0(%arg0: i32) -> (i32, i32) {
    %c0_i32 = arith.constant 0 : i32
    %c0_i32_0 = arith.constant 0 : i32
    return %c0_i32, %arg0 : i32, i32
  }
  func.func @transform_1(%arg0: i32) -> (i32, i32) {
    %c0_i32 = arith.constant 0 : i32
    %c0_i32_0 = arith.constant 0 : i32
    return %arg0, %c0_i32 : i32, i32
  }
  func.func @transform_2(%arg0: i32) -> (i32, i32) {
    %c1_i32 = arith.constant 1 : i32
    %c0_i32 = arith.constant 0 : i32
    return %arg0, %c1_i32 : i32, i32
  }
  func.func @transform_3(%arg0: i32) -> (i32, i32) {
    %c2_i32 = arith.constant 2 : i32
    %c0_i32 = arith.constant 0 : i32
    return %arg0, %c2_i32 : i32, i32
  }
  func.func @transform_4(%arg0: i32) -> (i32, i32) {
    %c3_i32 = arith.constant 3 : i32
    %c0_i32 = arith.constant 0 : i32
    return %arg0, %c3_i32 : i32, i32
  }
  func.func @transform_5(%arg0: i32) -> (i32, i32) {
    %c0_i32 = arith.constant 0 : i32
    %c0_i32_0 = arith.constant 0 : i32
    %c0_i32_1 = arith.constant 0 : i32
    return %c0_i32, %c0_i32_0 : i32, i32
  }
  func.func @transform_6(%arg0: i32) -> (i32, i32) {
    %c0_i32 = arith.constant 0 : i32
    %c0_i32_0 = arith.constant 0 : i32
    %c0_i32_1 = arith.constant 0 : i32
    return %c0_i32, %c0_i32_0 : i32, i32
  }
  func.func @transform_7(%arg0: i32) -> (i32, i32) {
    %c0_i32 = arith.constant 0 : i32
    %c0_i32_0 = arith.constant 0 : i32
    %c0_i32_1 = arith.constant 0 : i32
    return %c0_i32, %c0_i32_0 : i32, i32
  }
  func.func @transform_8(%arg0: i32) -> (i32, i32) {
    %c0_i32 = arith.constant 0 : i32
    %c0_i32_0 = arith.constant 0 : i32
    %c0_i32_1 = arith.constant 0 : i32
    return %c0_i32, %c0_i32_0 : i32, i32
  }
}

module attributes {stable_mosaic.version = 14 : i64} {
  func.func @_label_mlp_body(%arg0: memref<256x512xf32, #tpu.memory_space<vmem>>, %arg1: memref<512x1024xf32, #tpu.memory_space<vmem>>, %arg2: memref<1x1024xf32, #tpu.memory_space<vmem>>, %arg3: memref<1024x1024xf32, #tpu.memory_space<vmem>>, %arg4: memref<1x1024xf32, #tpu.memory_space<vmem>>, %arg5: memref<256x1024xf32, #tpu.memory_space<vmem>>) attributes {dimension_semantics = [], scalar_prefetch = 0 : i64, scratch_operands = 0 : i64, tpu.core_type = #tpu.core_type<tc>} {
    %get3A = arith.constant 0 : index
    %get3A_0 = arith.constant 0 : index
    %get3A_1 = vector.load %arg0[%get3A, %get3A_0] : memref<256x512xf32, #tpu.memory_space<vmem>>, vector<256x512xf32>
    %convert_element_type3A = arith.truncf %get3A_1 : vector<256x512xf32> to vector<256x512xbf16>
    %get3A_2 = arith.constant 0 : index
    %get3A_3 = arith.constant 0 : index
    %get3A_4 = vector.load %arg1[%get3A_2, %get3A_3] : memref<512x1024xf32, #tpu.memory_space<vmem>>, vector<512x1024xf32>
    %convert_element_type3A_5 = arith.truncf %get3A_4 : vector<512x1024xf32> to vector<512x1024xbf16>
    %dot_general3A = arith.constant dense<0.000000e+00> : vector<256x1024xf32>
    %dot_general3A_6 = tpu.matmul %convert_element_type3A, %convert_element_type3A_5, %dot_general3A {dimension_numbers = #tpu.dot_dimension_numbers<[1], [0], [0], [1], [0, 0, 1, 1], [], []>, transpose_lhs_hint = false} : vector<256x512xbf16>, vector<512x1024xbf16>, vector<256x1024xf32> -> vector<256x1024xf32>
    %get3A_7 = arith.constant 0 : index
    %get3A_8 = arith.constant 0 : index
    %get3A_9 = vector.load %arg2[%get3A_7, %get3A_8] : memref<1x1024xf32, #tpu.memory_space<vmem>>, vector<1x1024xf32>
    %add3A = vector.broadcast %get3A_9 : vector<1x1024xf32> to vector<256x1024xf32>
    %add3A_10 = arith.addf %dot_general3A_6, %add3A : vector<256x1024xf32>
    %max3A = arith.constant 0.000000e+00 : f32
    %max3A_11 = vector.broadcast %max3A : f32 to vector<256x1024xf32>
    %max3A_12 = arith.maximumf %add3A_10, %max3A_11 : vector<256x1024xf32>
    %convert_element_type3A_13 = arith.truncf %max3A_12 : vector<256x1024xf32> to vector<256x1024xbf16>
    %get3A_14 = arith.constant 0 : index
    %get3A_15 = arith.constant 0 : index
    %get3A_16 = vector.load %arg3[%get3A_14, %get3A_15] : memref<1024x1024xf32, #tpu.memory_space<vmem>>, vector<1024x1024xf32>
    %convert_element_type3A_17 = arith.truncf %get3A_16 : vector<1024x1024xf32> to vector<1024x1024xbf16>
    %dot_general3A_18 = arith.constant dense<0.000000e+00> : vector<256x1024xf32>
    %dot_general3A_19 = tpu.matmul %convert_element_type3A_13, %convert_element_type3A_17, %dot_general3A_18 {dimension_numbers = #tpu.dot_dimension_numbers<[1], [0], [0], [1], [0, 0, 1, 1], [], []>, transpose_lhs_hint = false} : vector<256x1024xbf16>, vector<1024x1024xbf16>, vector<256x1024xf32> -> vector<256x1024xf32>
    %get3A_20 = arith.constant 0 : index
    %get3A_21 = arith.constant 0 : index
    %get3A_22 = vector.load %arg4[%get3A_20, %get3A_21] : memref<1x1024xf32, #tpu.memory_space<vmem>>, vector<1x1024xf32>
    %add3A_23 = vector.broadcast %get3A_22 : vector<1x1024xf32> to vector<256x1024xf32>
    %add3A_24 = arith.addf %dot_general3A_19, %add3A_23 : vector<256x1024xf32>
    %max3A_25 = arith.constant 0.000000e+00 : f32
    %max3A_26 = vector.broadcast %max3A_25 : f32 to vector<256x1024xf32>
    %max3A_27 = arith.maximumf %add3A_24, %max3A_26 : vector<256x1024xf32>
    %mul3A = arith.mulf %max3A_27, %max3A_27 : vector<256x1024xf32>
    %reduce_sum3A = arith.constant dense<0.000000e+00> : vector<256xf32>
    %reduce_sum3A_28 = vector.multi_reduction <add>, %mul3A, %reduce_sum3A [1] : vector<256x1024xf32> to vector<256xf32>
    %broadcast_in_dim3A = vector.shape_cast %reduce_sum3A_28 : vector<256xf32> to vector<256x1xf32>
    %sqrt3A = math.sqrt %broadcast_in_dim3A : vector<256x1xf32>
    %max3A_29 = arith.constant 9.99999996E-13 : f32
    %max3A_30 = vector.broadcast %max3A_29 : f32 to vector<256x1xf32>
    %max3A_31 = arith.maximumf %sqrt3A, %max3A_30 : vector<256x1xf32>
    %div3A = vector.broadcast %max3A_31 : vector<256x1xf32> to vector<256x1024xf32>
    %div3A_32 = arith.divf %max3A_27, %div3A : vector<256x1024xf32>
    %swap3A = arith.constant 0 : index
    %swap3A_33 = arith.constant 0 : index
    %swap3A_34 = vector.load %arg5[%swap3A, %swap3A_33] : memref<256x1024xf32, #tpu.memory_space<vmem>>, vector<256x1024xf32>
    tpu.vector_store %arg5[%swap3A, %swap3A_33], %div3A_32 {strides = array<i32>} : memref<256x1024xf32, #tpu.memory_space<vmem>>, vector<256x1024xf32>,
    return
  }
}

</mosaic_0001>

<sc_bundles>
// kernel: kernel.5.cloned.1.call-start
scs
__scs_entry_jumppad:
0x0: {  	(pc) =	sbr.rel $0x88, $3  }
0x1: {  	(tag) =	ssettag $0x0;
	lr =	simm.s32 $0x1  }
0x2: {  	[smem:$0x3F95] =	sst lr;
	_ =	strace $0xD0000000  }
0x3: {  	_ = 	snop  }
0x4: {  	_ = 	snop  }
0x5: {  	_ = 	snop  }
0x6: {  	_ = 	snop  }
0x7: {  	_ = 	snop  }
__scs_overlays_trampoline_lowered:
0x8: {  	[smem:$0x3FA4] =	sst s0  }
0x9: {  	[smem:$0x3FA5] =	sst s1  }
0xa: {  	[smem:$0x3FA6] =	sst s2  }
0xb: {  	[smem:$0x3FA7] =	sst s3  }
0xc: {  	[smem:$0x3FA8] =	sst s4  }
0xd: {  	[smem:$0x3FA9] =	sst s5  }
0xe: {  	[smem:$0x3FAA] =	sst s6  }
0xf: {  	[smem:$0x3FAB] =	sst s7  }
0x10: {  	[smem:$0x3FAC] =	sst s8  }
0x11: {  	[smem:$0x3FAD] =	sst s9;
	s0 =	simm.s32 @!p0 $0x0  }
0x12: {  	s1 =	sld [smem:$0x3F93];
	s0 =	simm.s32 @p0 $0x1  }
0x13: {  	[smem:$0x3FAE] =	sst s0;
	s0 =	simm.s32 @!p1 $0x0  }
0x14: {  	s2 =	sld [smem:$0x3F92];
	s0 =	simm.s32 @p1 $0x1  }
0x15: {  	[smem:$0x3FAF] =	sst s0;
	s0 =	simm.s32 @!p2 $0x0  }
0x16: {  	s3 =	sld [smem:$0x3FDB];
	s0 =	simm.s32 @p2 $0x1  }
0x17: {  	s4 =	simm.s32 $0x1BF5;
	[smem:$0x3FB1] =	sst s0  }
0x18: {  	s0 =	sld [smem:$0x3F94];
	_ =	swait.ge [sflag:s4], $0x0  }
0x19: {  	s7 =	sld [smem:$0x3F95]  }
0x1a: {  	s8 =	sadd.s32 $0xFFFFE003, lr  }
0x1b: {  	s9 =	sadd.s32 $0xFFFFFEF7, lr;
	s5 =	simm.s32 $0xFFFFFFFF;
	p2 =	slt.u32 s8, $0xFFFFF086  }
0x1c: {  	p1 =	slt.u32 s9, $0xF7A;
	s5 =	simm.s32 @!p2 $0x0  }
0x1d: {  	s5 =	simm.s32 @p1 $0x1;
	p0 =	seq.s32 s7, s2  }
0x1e: {  	s7 =	smul.u32 @!p0 $0xF7A, s2;
	p2 =	seq.s32 @!p0 s5, $0x0  }
0x1f: {  	s9 =	smul.u32 $0xF7A, s1;
	s8 =	simm.s32 @!p0 $0x1BF5;
	p2 =	por !p2, p0  }
0x20: {  	[sflag:s8] =	ssyncset.s32 @!p0 $0xFFFFF086;
	s6 =	sadd.s32 @!p0 s3, s7;
	s7 =	simm.s32 @!p0 $0x108  }
0x21: {  	s3 =	sadd.s32 s3, s9;
	s6 =	sadd.s32 @!p0 $0x88, s6;
	s7 =	simm.s32 @p2 $0x1082  }
0x22: {  	[simem:s7], [sflag:s8] =	dma.local @!p0 [hbm:s6], $0xF7A  }
0x23: {  	s9 =	sor.u32 $0xD0000000, s2;
	s6 =	simm.s32 $0x108;
	_ =	swait.ge @!p0 [sflag:s8], $0x0  }
0x24: {  	s3 =	sadd.s32 $0x88, s3;
	s6 =	simm.s32 @!p1 $0x1082;
	[sflag:s4] =	ssyncset.s32 $0xFFFFF086  }
0x25: {  	[simem:s6], [sflag:s4] =	dma.local [hbm:s3], $0xF7A  }
0x26: {  	[smem:$0x3F95] =	sst s1;
	(tag) =	ssettag s2;
	_ =	strace s9  }
0x27: {  	s1 =	sld [smem:$0x3FA5]  }
0x28: {  	s2 =	sld [smem:$0x3FA6]  }
0x29: {  	s4 =	sld [smem:$0x3FA8]  }
0x2a: {  	p0 =	seq.s32 s5, $0x0;
	s5 =	sld [smem:$0x3FA9]  }
0x2b: {  	s6 =	sld [smem:$0x3FAA]  }
0x2c: {  	s7 =	sld [smem:$0x3FAB]  }
0x2d: {  	s3 =	simm.s32 $0x108;
	s8 =	sld [smem:$0x3FAC]  }
0x2e: {  	s3 =	simm.s32 @!p0 $0x1082;
	s9 =	sld [smem:$0x3FAD]  }
0x2f: {  	lr =	sadd.s32 s0, s3;
	s0 =	sld [smem:$0x3FA4]  }
0x30: {  	s3 =	sld [smem:$0x3FA7]  }
0x31: {  	[smem:$0x3FB0] =	sst s10  }
0x32: {  	s10 =	sld [smem:$0x3FAE];
	_ =	sdelay $0x3  }
0x33: {  	p0 =	seq.s32 s10, $0x1;
	s10 =	sld [smem:$0x3FB0];
	_ =	sdelay $0x3  }
0x34: {  	[smem:$0x3FB0] =	sst s10  }
0x35: {  	s10 =	sld [smem:$0x3FAF];
	_ =	sdelay $0x3  }
0x36: {  	p1 =	seq.s32 s10, $0x1;
	s10 =	sld [smem:$0x3FB0];
	_ =	sdelay $0x3  }
0x37: {  	[smem:$0x3FB0] =	sst s10  }
0x38: {  	s10 =	sld [smem:$0x3FB1]  }
0x39: {  	_ = 	snop;
	(pc) =	sbr.ind lr, $3  }
0x3a: {  	_ = 	snop  }
0x3b: {  	_ = 	snop  }
0x3c: {  	p2 =	seq.s32 s10, $0x1;
	s10 =	sld [smem:$0x3FB0]  }
0x3d: {  	_ =	shalt  }
0x3e: {  	_ =	shalt  }
0x3f: {  	_ =	shalt  }
0x40: {  	_ =	shalt  }
0x41: {  	_ =	shalt  }
0x42: {  	_ =	shalt  }
0x43: {  	_ =	shalt  }
0x44: {  	_ =	shalt  }
0x45: {  	_ =	shalt  }
0x46: {  	_ =	shalt  }
0x47: {  	_ =	shalt  }
0x48: {  	_ =	shalt  }
0x49: {  	_ =	shalt  }
0x4a: {  	_ =	shalt  }
0x4b: {  	_ =	shalt  }
0x4c: {  	_ =	shalt  }
0x4d: {  	_ =	shalt  }
0x4e: {  	_ =	shalt  }
0x4f: {  	_ =	shalt  }
0x50: {  	_ =	shalt  }
0x51: {  	_ =	shalt  }
0x52: {  	_ =	shalt  }
0x53: {  	_ =	shalt  }
0x54: {  	_ =	shalt  }
0x55: {  	_ =	shalt  }
0x56: {  	_ =	shalt  }
0x57: {  	_ =	shalt  }
0x58: {  	_ =	shalt  }
0x59: {  	_ =	shalt  }
0x5a: {  	_ =	shalt  }
0x5b: {  	_ =	shalt  }
0x5c: {  	_ =	shalt  }
0x5d: {  	_ =	shalt  }
0x5e: {  	_ =	shalt  }
0x5f: {  	_ =	shalt  }
0x60: {  	_ =	shalt  }
0x61: {  	_ =	shalt  }
0x62: {  	_ =	shalt  }
0x63: {  	_ =	shalt  }
0x64: {  	_ =	shalt  }
0x65: {  	_ =	shalt  }
0x66: {  	_ =	shalt  }
0x67: {  	_ =	shalt  }
0x68: {  	_ =	shalt  }
0x69: {  	_ =	shalt  }
0x6a: {  	_ =	shalt  }
0x6b: {  	_ =	shalt  }
0x6c: {  	_ =	shalt  }
0x6d: {  	_ =	shalt  }
0x6e: {  	_ =	shalt  }
0x6f: {  	_ =	shalt  }
0x70: {  	_ =	shalt  }
0x71: {  	_ =	shalt  }
0x72: {  	_ =	shalt  }
0x73: {  	_ =	shalt  }
0x74: {  	_ =	shalt  }
0x75: {  	_ =	shalt  }
0x76: {  	_ =	shalt  }
0x77: {  	_ =	shalt  }
0x78: {  	_ =	shalt  }
0x79: {  	_ =	shalt  }
0x7a: {  	_ =	shalt  }
0x7b: {  	_ =	shalt  }
0x7c: {  	_ =	shalt  }
0x7d: {  	_ =	shalt  }
0x7e: {  	_ =	shalt  }
0x7f: {  	_ =	shalt  }
0x80: {  	_ =	shalt  }
0x81: {  	_ =	shalt  }
0x82: {  	_ =	shalt  }
0x83: {  	_ =	shalt  }
0x84: {  	_ =	shalt  }
0x85: {  	_ =	shalt  }
0x86: {  	_ =	shalt  }
0x87: {  	_ =	shalt  }
.Lfunc_end0:
.L_simem_size_0:
called_computation_lowered:
.L_overlay_start_0:
0x88: {  	s2 =	sld [smem:$0x3FD9]  }
0x89: {  	s3 =	sld [smem:$0x3FFE];
	_ =	sdelay $0x1  }
0x8a: {  	s1 =	srdreg.scid  }
0x8b: {  	s0 =	sand.u32 $0x1, s1  }
0x8c: {  	s14 =	sshll.u32 s0, $0xA;
	s2 =	sadd.s32 s3, s2  }
0x8d: {  	s2 =	sadd.s32 s2, s14  }
0x8e: {  	[smem:$0x3FBC] =	sst s2  }
0x8f: {  	_ = 	snop  }
0x90: {  	s2 =	sld [smem:$0x3FD0];
	_ =	sdelay $0x2  }
0x91: {  	s15 =	simm.s32 $0xA;
	s4 =	simm.s32 $0x10  }
0x92: {  	[smem:s4], [sflag:s15] =	dma.local [hbm:s2], $0x1  }
0x93: {  	_ =	swait.eq [sflag:s15], $0x1  }
0x94: {  	[sflag:s15] =	ssyncset.done $0x0  }
0x95: {  	s16 =	sld [smem:$0x11];
	[sflag:s15] =	ssyncadd.s32 $0xFFFFFFFF  }
0x96: {  	s17 =	sld [smem:$0x12];
	(tm) =	ssettm $0x1  }
0x97: {  	s18 =	sld [smem:$0x3FFB];
	_ =	sdelay $0x3  }
0x98: {  	_ =	strace s18  }
0x99: {  	s4 =	sld [smem:$0x3FFC];
	_ =	sdelay $0x3  }
0x9a: {  	_ =	strace s4  }
0x9b: {  	s4 =	sld [smem:$0x3FFD];
	_ =	sdelay $0x3  }
0x9c: {  	_ =	strace s4  }
0x9d: {  	_ =	strace $0x8FFFFFFF  }
0x9e: {  	s19 =	sld [smem:$0x3FDB];
	_ =	sdelay $0x1  }
0x9f: {  	s5 =	simm.s32 $_scs_section_size  }
0xa0: {  	s6 =	simm.s32 $_size__tile_overlayer_lowered;
	s7 =	simm.s32 $_tile_overlayer_lowered  }
0xa1: {  	s22 =	simm.s32 $0x1BFF;
	s21 =	sshll.u32 s7, $0x1;
	s4 =	sadd.s32 s5, s19  }
0xa2: {  	s8 =	simm.s32 $0x0;
	s20 =	sshll.u32 s6, $0x1;
	s6 =	sadd.s32 s21, s4  }
0xa3: {  	[timem:s8], [sflag:s22] =	dma.local [hbm:s6], s20  }
0xa4: {  	_ =	swait.ge [sflag:s22], s20  }
0xa5: {  	s5 =	ssub.s32 $0x0, s20;
	[sflag:s22] =	ssyncset.done $0x0  }
0xa6: {  	[sflag:s22] =	ssyncadd.s32 s5;
	_ =	sdelay $0x1  }
0xa7: {  	s23 =	simm.s32 $0x1B8B  }
0xa8: {  	_ =	swait.ge [sflag:s23], $0x1  }
0xa9: {  	[sflag:s23] =	ssyncset.done $0x0  }
0xaa: {  	s25 =	simm.s32 $0x1B8E;
	s24 =	sld [smem:$0x3FFE];
	[sflag:s23] =	ssyncadd.s32 $0xFFFFFFFF  }
0xab: {  	s26 =	simm.s32 $execute0_lowered;
	[smem:$0x3FD2] =	sst s25  }
0xac: {  	s6 =	sshll.u32 s26, $0x1;
	_ =	strace $0x80000046;
	[dreg:$0x1] =	wrdreg $0xFFFFFFFF  }
0xad: {  	s28 =	simm.s32 $_size_execute0_lowered;
	s4 =	sadd.s32 s4, s6;
	[dreg:$0x0] =	wrdreg $0x0  }
0xae: {  	s6 =	sshll.u32 s28, $0x1;
	[dreg:$0x2] =	wrdreg s4  }
0xaf: {  	[dreg:$0x3] =	wrdreg s6  }
0xb0: {  	[dreg:$0x4] =	wrdreg $0xC0  }
0xb1: {  	_ =	task [dreg:s8], $0x5FFFF  }
0xb2: {  	[dreg:$0x1] =	wrdreg $0xFFFFFFFF  }
0xb3: {  	[dreg:$0x0] =	wrdreg $0x60  }
0xb4: {  	[dreg:$0x2] =	wrdreg s24  }
0xb5: {  	[dreg:$0x3] =	wrdreg s16  }
0xb6: {  	[dreg:$0x4] =	wrdreg s17  }
0xb7: {  	[dreg:$0x5] =	wrdreg $0x9  }
0xb8: {  	_ =	task.clear_ibuf [dreg:s8], $0x6FFFF;
	_ =	strace $0x90000046  }
0xb9: {  	s29 =	simm.s32 $0x9;
	_ =	strace $0x80000048  }
0xba: {  	_ =	swait.ge [sflag:s29], $0x1  }
0xbb: {  	[sflag:s29] =	ssyncadd.s32 $0xFFFFFFFF  }
0xbc: {  	_ =	strace $0x90000048  }
0xbd: {  	_ =	sfence  }
0xbe: {  	s30 =	sld [smem:$0x0];
	_ =	sdelay $0x2  }
0xbf: {  	s31 =	sshll.u32 s1, $0xD;
	s1 =	sshrl.u32 s1, $0x2  }
0xc0: {  	s3 =	sand.u32 $0x4000, s31;
	s1 =	sadd.s32 s1, s30  }
0xc1: {  	s0 =	sor.u32 s3, s0;
	s1 =	sshll.u32 s1, $0x11  }
0xc2: {  	s0 =	sor.u32 s1, s0  }
0xc3: {  	s0 =	sadd.s32 $0x8F2B, s0  }
0xc4: {  	[sflag:s0] =	ssyncadd.remote.s32 $0x1  }
0xc5: {  	_ =	sfence.sel $0xFFFF  }
0xc6: {  	[dreg:$0x0] =	wrdreg $0xFFFFFFFF;
	(pc) =	sbr.abs _section_cstart, $3  }
0xc7: {  	[dreg:$0x1] =	wrdreg $0xFFFFFFFF  }
0xc8: {  	_ =	task.clear_ibuf [dreg:s8], $0x2FFFF;
	_ =	strace $0x9FFFFFFF  }
0xc9: {  	(tm) =	ssettm $0x7FFFFFFF  }
tec
execute0_lowered:
.L_overlay_start_1:
0x0: {  	(tag) =	ssettag $0x1  }
0x1: {  	s0 =	rddreg [dreg:$0x0]  }
0x2: {  	s5 =	rddreg [dreg:$0x1]  }
0x3: {  	s6 =	rddreg [dreg:$0x2]  }
0x4: {  	s3 =	srdreg.scid;
	s2 =	simm.s32 $0x0;
	s1 =	stileid.u32  }
0x5: {  	s12 =	simm.s32 $0x1400;
	s13 =	simm.s32 $0x1C00;
	s14 =	simm.s32 $0x2400  }
0x6: {  	s15 =	simm.s32 $0x2C00;
	s16 =	simm.s32 $0x3400;
	s17 =	simm.s32 $0x3C00  }
0x7: {  	s18 =	simm.s32 $0x4400;
	s19 =	simm.s32 $0x4C00;
	s20 =	simm.s32 $0x5400  }
0x8: {  	s28 =	simm.s32 $0x8C00;
	s29 =	simm.s32 $0x9400;
	s30 =	simm.s32 $0x9C00  }
0x9: {  	s31 =	simm.s32 $0x1;
	s4 =	sand.u32 $0x1, s3;
	[smem:$0x7FF] =	sst s2  }
0xa: {  	s21 =	sshll.u32 s1, $0x7;
	s3 =	sadd.s32 $0x2C00, s0;
	s10 =	sshll.u32 s1, $0x1  }
0xb: {  	s7 =	sshll.u32 s4, $0x6;
	_ =	strace $0x80000047;
	s8 =	ssub.s32 $0x2, s4  }
0xc: {  	s10 =	sor.u32 s4, s10;
	s4 =	sadd.s32 $0x2D00, s0;
	s7 =	sor.u32 s7, s21  }
0xd: {  	s9 =	sshrl.u32 s8, $0x1;
	s24 =	sshll.u32 s10, $0xC;
	s25 =	sshll.u32 s10, $0xE  }
0xe: {  	s10 =	simm.s32 $0x400;
	s21 =	simm.s32 $0x5C00;
	s7 =	sadd.s32 s7, s0  }
0xf: {  	s23 =	ssub.s32 s8, s9;
	s8 =	sadd.s32 s5, s24;
	s5 =	sadd.s32 $0x2E00, s0  }
0x10: {  	s26 =	sadd.s32 s6, s25;
	s6 =	sadd.s32 $0x2F00, s0;
	s9 =	simm.s32 $0x200  }
0x11: {  	s24 =	simm.s32 $0x7400;
	s25 =	simm.s32 $0x7C00;
	s0 =	simm.s32 $0x2  }
0x12: {  	s11 =	sadd.s32 $0x1C00, s7;
	s22 =	sadd.s32 $0x2400, s7;
	[dreg:$0x6] =	wrdreg s8  }
0x13: {  	v2 =	vlaneseq.u32;
	[dreg:$0x7] =	wrdreg s26;
	s7 =	smax.u32 s23, $0x1;
	s8 =	simm.s32 $0x3  }
0x14: {  	vm0 =	vmmov $0xffff;
	v1 =	vshrl.u32 v2, $0x3;
	s23 =	simm.s32 $0x6C00;
	s26 =	simm.s32 $0x8400;
	[dreg:$0x4] =	wrdreg s11  }
0x15: {  	v0 =	vand.u32 $0x7, v2;
	v2 =	vor.u32 $0x8, v2;
	v1 =	vmul.u32 $0x8, v1;
	[dreg:$0x5] =	wrdreg s22;
	s11 =	simm.s32 $0xC00;
	s22 =	simm.s32 $0x6400  }
.LBB2_1:
0x16: {  	s1 =	rddreg [dreg:$0x4]  }
0x17: {  	[tilespmem:s2], [sflag:$0x3] =	stream.linear.gather [hbm4b:s1+s2], $0x200, $0x38;
	[tilespmem:$0xA400] =	vst v63  }
0x18: {  	_ =	swait.ge [sflag:s8], $0x200  }
0x19: {  	[sflag:s8] =	ssyncset.done $0x0  }
0x1a: {  	s1 =	rddreg [dreg:$0x5];
	[sflag:s8] =	ssyncadd.s32 $0xFFFFFE00  }
0x1b: {  	[tilespmem:s9], [sflag:$0x3] =	stream.linear.gather [hbm4b:s1+s2], $0x200, $0x38;
	[tilespmem:$0xA400] =	vst v63  }
0x1c: {  	_ =	swait.ge [sflag:s8], $0x200  }
0x1d: {  	[sflag:s8] =	ssyncset.done $0x0  }
0x1e: {  	[sflag:s8] =	ssyncadd.s32 $0xFFFFFE00  }
0x1f: {  	v3 =	vld.msk [tilespmem:$0x0], $0xff;
	_ =	sdelay $0x4  }
0x20: {  	v4 =	vshll.u32 v3, $0x3  }
0x21: {  	v3 =	vand.u32 $0x7, v3;
	v4 =	vand.u32 $0xFFFFFFC0, v4  }
0x22: {  	v3 =	vor.u32 v3, v4  }
0x23: {  	v3 =	vperm.xlane v3, v0;
	_ =	sdelay $0x1  }
0x24: {  	v3 =	vadd.s32 v1, v3;
	_ =	sdelay $0x4  }
0x25: {  	[tilespmem:s10], [sflag:$0x1] =	stream.indirect_vreg.gather [hbm4b:s3+s2], $0x80, v3, vm0, $0xb8;
	[tilespmem:$0xA400] =	vst v63  }
0x26: {  	_ = 	snop  }
0x27: {  	[tilespmem:s11], [sflag:$0x1] =	stream.indirect_vreg.gather [hbm4b:s4+s2], $0x80, v3, vm0, $0xb8;
	[tilespmem:$0xA400] =	vst v63  }
0x28: {  	_ = 	snop  }
0x29: {  	[tilespmem:s12], [sflag:$0x1] =	stream.indirect_vreg.gather [hbm4b:s5+s2], $0x80, v3, vm0, $0xb8;
	[tilespmem:$0xA400] =	vst v63  }
0x2a: {  	_ = 	snop  }
0x2b: {  	[tilespmem:s13], [sflag:$0x1] =	stream.indirect_vreg.gather [hbm4b:s6+s2], $0x80, v3, vm0, $0xb8;
	[tilespmem:$0xA400] =	vst v63  }
0x2c: {  	v3 =	vld [tilespmem:$0x200];
	_ =	sdelay $0x4  }
0x2d: {  	v62 =	vshll.u32 v3, $0x3  }
0x2e: {  	v3 =	vand.u32 $0x7, v3;
	v4 =	vand.u32 $0xFFFFFFC0, v62  }
0x2f: {  	v3 =	vor.u32 v3, v4  }
0x30: {  	v4 =	vperm.xlane v3, v0;
	_ =	sdelay $0x1  }
0x31: {  	v4 =	vadd.s32 v1, v4;
	_ =	sdelay $0x4  }
0x32: {  	[tilespmem:s14], [sflag:$0x2] =	stream.indirect_vreg.gather [hbm4b:s3+s2], $0x80, v4, vm0, $0xb8;
	[tilespmem:$0xA400] =	vst v63  }
0x33: {  	v3 =	vperm.xlane v3, v2  }
0x34: {  	[tilespmem:s15], [sflag:$0x2] =	stream.indirect_vreg.gather [hbm4b:s4+s2], $0x80, v4, vm0, $0xb8;
	[tilespmem:$0xA400] =	vst v63  }
0x35: {  	v3 =	vadd.s32 v1, v3  }
0x36: {  	[tilespmem:s16], [sflag:$0x2] =	stream.indirect_vreg.gather [hbm4b:s5+s2], $0x80, v4, vm0, $0xb8;
	[tilespmem:$0xA400] =	vst v63  }
0x37: {  	_ = 	snop  }
0x38: {  	[tilespmem:s17], [sflag:$0x2] =	stream.indirect_vreg.gather [hbm4b:s6+s2], $0x80, v4, vm0, $0xb8;
	[tilespmem:$0xA400] =	vst v63  }
0x39: {  	_ = 	snop  }
0x3a: {  	[tilespmem:s18], [sflag:$0x2] =	stream.indirect_vreg.gather [hbm4b:s3+s2], $0x80, v3, vm0, $0xb8;
	[tilespmem:$0xA400] =	vst v63  }
0x3b: {  	_ = 	snop  }
0x3c: {  	[tilespmem:s19], [sflag:$0x2] =	stream.indirect_vreg.gather [hbm4b:s4+s2], $0x80, v3, vm0, $0xb8;
	[tilespmem:$0xA400] =	vst v63  }
0x3d: {  	_ = 	snop  }
0x3e: {  	[tilespmem:s20], [sflag:$0x2] =	stream.indirect_vreg.gather [hbm4b:s5+s2], $0x80, v3, vm0, $0xb8;
	[tilespmem:$0xA400] =	vst v63  }
0x3f: {  	_ = 	snop  }
0x40: {  	[tilespmem:s21], [sflag:$0x2] =	stream.indirect_vreg.gather [hbm4b:s6+s2], $0x80, v3, vm0, $0xb8;
	[tilespmem:$0xA400] =	vst v63  }
0x41: {  	v3 =	vld [tilespmem:$0x210];
	_ =	sdelay $0x4  }
0x42: {  	v63 =	vshll.u32 v3, $0x3  }
0x43: {  	v3 =	vand.u32 $0x7, v3;
	v4 =	vand.u32 $0xFFFFFFC0, v63  }
0x44: {  	v3 =	vor.u32 v3, v4  }
0x45: {  	v4 =	vperm.xlane v3, v0;
	_ =	sdelay $0x1  }
0x46: {  	v4 =	vadd.s32 v1, v4;
	_ =	sdelay $0x4  }
0x47: {  	[tilespmem:s22], [sflag:$0x2] =	stream.indirect_vreg.gather [hbm4b:s3+s2], $0x80, v4, vm0, $0xb8;
	[tilespmem:$0xA400] =	vst v63  }
0x48: {  	v3 =	vperm.xlane v3, v2  }
0x49: {  	[tilespmem:s23], [sflag:$0x2] =	stream.indirect_vreg.gather [hbm4b:s4+s2], $0x80, v4, vm0, $0xb8;
	[tilespmem:$0xA400] =	vst v63  }
0x4a: {  	v3 =	vadd.s32 v1, v3  }
0x4b: {  	[tilespmem:s24], [sflag:$0x2] =	stream.indirect_vreg.gather [hbm4b:s5+s2], $0x80, v4, vm0, $0xb8;
	[tilespmem:$0xA400] =	vst v63  }
0x4c: {  	_ = 	snop  }
0x4d: {  	[tilespmem:s25], [sflag:$0x2] =	stream.indirect_vreg.gather [hbm4b:s6+s2], $0x80, v4, vm0, $0xb8;
	[tilespmem:$0xA400] =	vst v63  }
0x4e: {  	_ = 	snop  }
0x4f: {  	[tilespmem:s26], [sflag:$0x2] =	stream.indirect_vreg.gather [hbm4b:s3+s2], $0x80, v3, vm0, $0xb8;
	[tilespmem:$0xA400] =	vst v63  }
0x50: {  	_ = 	snop  }
0x51: {  	[tilespmem:s28], [sflag:$0x2] =	stream.indirect_vreg.gather [hbm4b:s4+s2], $0x80, v3, vm0, $0xb8;
	[tilespmem:$0xA400] =	vst v63  }
0x52: {  	_ = 	snop  }
0x53: {  	[tilespmem:s29], [sflag:$0x2] =	stream.indirect_vreg.gather [hbm4b:s5+s2], $0x80, v3, vm0, $0xb8;
	[tilespmem:$0xA400] =	vst v63  }
0x54: {  	_ = 	snop  }
0x55: {  	[tilespmem:s30], [sflag:$0x2] =	stream.indirect_vreg.gather [hbm4b:s6+s2], $0x80, v3, vm0, $0xb8;
	[tilespmem:$0xA400] =	vst v63  }
0x56: {  	_ =	swait.ge [sflag:s31], $0x2000  }
0x57: {  	[sflag:s31] =	ssyncset.done $0x0  }
0x58: {  	s1 =	rddreg [dreg:$0x6];
	[sflag:s31] =	ssyncadd.s32 $0xFFFFE000  }
0x59: {  	[hbm4b:s1+s2] =	stream.linear.scatter [tilespmem:s10], [sflag:$0x3], $0x2000, $0x38;
	[tilespmem:$0xA400] =	vst v63  }
0x5a: {  	_ =	swait.ge [sflag:s8], $0x2000  }
0x5b: {  	[sflag:s8] =	ssyncset.done $0x0  }
0x5c: {  	[sflag:s8] =	ssyncadd.s32 $0xFFFFE000  }
0x5d: {  	_ =	swait.ge [sflag:s0], $0x8000  }
0x5e: {  	p0 =	sne.s32 s7, $0x1;
	[sflag:s0] =	ssyncset.done $0x0  }
.Ltmp0:
0x5f: {  	s1 =	rddreg [dreg:$0x7];
	[sflag:s0] =	ssyncadd.s32 $0xFFFF8000;
	(pc) =	sbr.rel @p0 .LBB2_1-.Ltmp0, $4  }
0x60: {  	[hbm4b:s1+s2] =	stream.linear.scatter [tilespmem:s14], [sflag:$0x3], $0x8000, $0x38;
	[tilespmem:$0xA400] =	vst v63  }
0x61: {  	_ =	swait.ge [sflag:s8], $0x8000  }
0x62: {  	[sflag:s8] =	ssyncset.done $0x0  }
0x63: {  	s7 =	sadd.s32 $0xFFFFFFFF, s7;
	[sflag:s8] =	ssyncadd.s32 $0xFFFF8000  }
0x64: {  	_ =	sfence.sel $0x180000  }
0x65: {  	[bflag:$0x0] =	sbarrier.arrive $0xFFFF  }
0x66: {  	_ =	strace $0x90000047  }
0x67: {  	s0 =	stileid.u32;
	[bflag:$0x2] =	sbarrier.arrive $0xFFFF  }
0x68: {  	p0 =	sne.s32 s0, $0x0;
	s0 =	rddreg [dreg:$0x3]  }
0x69: {  	s0 =	sadd.s32 @!p0 $0x100000, s0  }
0x6a: {  	[sflag:s0] =	ssyncadd.tile.s32 @!p0 $0x1;
	_ =	shalt  }
.Lfunc_end2:
_tile_overlayer_lowered:
.L_overlay_start_2:
0x6b: {  	(tag) =	ssettag $0x2  }
0x6c: {  	s0 =	rddreg [dreg:$0x0];
	s2 =	stileid.u32  }
0x6d: {  	s1 =	rddreg [dreg:$0x1];
	p0 =	sne.s32 s2, $0x0  }
0x6e: {  	s3 =	rddreg [dreg:$0x2];
	[bflag:$0x3] =	sbarrier.arrive $0xFFFF;
	s2 =	simm.s32 @!p0 $0x1C03  }
0x6f: {  	[timem:s3], [sflag:s2] =	dma.local @!p0 [hbm:s0], s1  }
0x70: {  	s0 =	simm.s32 @!p0 $0x3  }
0x71: {  	_ =	swait.ge @!p0 [sflag:s0], s1  }
0x72: {  	s1 =	ssub.s32 @!p0 $0x0, s1;
	[sflag:s0] =	ssyncset.done @!p0 $0x0  }
0x73: {  	[sflag:s0] =	ssyncadd.s32 @!p0 s1  }
0x74: {  	[bflag:$0x3] =	sbarrier.arrive $0xFFFF  }
0x75: {  	_ =	shalt  }

</sc_bundles>
